<compile_context>
chip_gen: v7x
topology: tpu7x:2x2x1
jax: 0.10.2.dev20260603
libtpu: 0.0.44.dev20260713+nightly
codegen_flags: <defaults>
</compile_context>

<pallas_src>
import functools

import jax
import jax.numpy as jnp
from jax import lax
from jax.experimental import pallas as pl
from jax.experimental.pallas import tpu as pltpu
from jax.experimental.pallas import tpu_sc as plsc

K_DIM = 8192
E_DIM = 256
BETA = 0.25
N_ELEM = 8 * 32 * 32 * 256

TM = 512
TN = 512


def _argmin_body(zn_ref, wn_ref, z_ref, w_ref, idx_ref, run_min, run_idx):
    j = pl.program_id(1)
    nj = pl.num_programs(1)

    @pl.when(j == 0)
    def _init():
        run_min[:] = jnp.full((TM, 4), jnp.inf, jnp.float32)
        run_idx[:] = jnp.zeros((TM, 4), jnp.int32)

    m = lax.dot_general(z_ref[:], w_ref[:],
                        (((1,), (1,)), ((), ())),
                        preferred_element_type=jnp.float32)
    d = (zn_ref[:] + wn_ref[:]) - 2.0 * m
    bmin = jnp.min(d, axis=1, keepdims=True)
    col = j * TN + lax.broadcasted_iota(jnp.int32, (TM, TN), 1)
    cand = jnp.where(d == bmin, col, K_DIM)
    barg = jnp.min(cand, axis=1, keepdims=True)
    new_mins = []
    new_idxs = []
    for p in range(4):
        run_v = run_min[:, p:p + 1]
        run_i = run_idx[:, p:p + 1]
        upd = (j // 4 == p) & (bmin < run_v)
        new_mins.append(jnp.where(upd, bmin, run_v))
        new_idxs.append(jnp.where(upd, barg, run_i))
    run_min[:] = jnp.concatenate(new_mins, axis=1)
    run_idx[:] = jnp.concatenate(new_idxs, axis=1)

    @pl.when(j == nj - 1)
    def _out():
        acc_v = run_min[:, 0:1]
        acc_a = run_idx[:, 0:1]
        for p in range(1, 4):
            v = run_min[:, p:p + 1]
            a = run_idx[:, p:p + 1]
            q = acc_v.astype(jnp.bfloat16).astype(jnp.float32)
            upd = v < q
            acc_v = jnp.where(upd, v, acc_v)
            acc_a = jnp.where(upd, a, acc_a)
        idx_ref[:] = acc_a


def _vq_argmin(z_bf, w_bf, zn, wn):
    grid = (K_DIM // TM, K_DIM // TN)
    return pl.pallas_call(
        _argmin_body,
        grid=grid,
        in_specs=[
            pl.BlockSpec((TM, 1), lambda i, j: (i, 0)),
            pl.BlockSpec((1, TN), lambda i, j: (0, j)),
            pl.BlockSpec((TM, E_DIM), lambda i, j: (i, 0)),
            pl.BlockSpec((TN, E_DIM), lambda i, j: (j, 0)),
        ],
        out_specs=pl.BlockSpec((TM, 1), lambda i, j: (i, 0)),
        out_shape=jax.ShapeDtypeStruct((K_DIM, 1), jnp.int32),
        scratch_shapes=[
            pltpu.VMEM((TM, 4), jnp.float32),
            pltpu.VMEM((TM, 4), jnp.int32),
        ],
        compiler_params=pltpu.CompilerParams(
            dimension_semantics=("parallel", "arbitrary"),
        ),
    )(zn, wn, z_bf, w_bf)


def _make_sc_gather():
    info = plsc.get_sparse_core_info()
    NC, NS = info.num_cores, info.num_subcores
    NW = NC * NS
    b_per_w = K_DIM // NW
    chunk = 128
    n_chunks = b_per_w // chunk
    mesh = plsc.VectorSubcoreMesh(core_axis_name="c", subcore_axis_name="s")

    @functools.partial(
        pl.kernel, mesh=mesh,
        out_type=jax.ShapeDtypeStruct((K_DIM, E_DIM), jnp.float32),
        scratch_types=[
            pltpu.VMEM((chunk,), jnp.int32),
            pltpu.VMEM((chunk, E_DIM), jnp.float32),
            pltpu.SemaphoreType.DMA,
        ],
    )
    def gather(table_hbm, idx_hbm, out_hbm, idx_v, rows_v, sem):
        wid = lax.axis_index("s") * NC + lax.axis_index("c")
        for c in range(n_chunks):
            base = wid * b_per_w + c * chunk
            pltpu.sync_copy(idx_hbm.at[pl.ds(base, chunk)], idx_v)
            pltpu.async_copy(table_hbm.at[idx_v], rows_v, sem).wait()
            pltpu.sync_copy(rows_v, out_hbm.at[pl.ds(base, chunk)])

    return gather


_sc_gather = _make_sc_gather()


def _st_body(zp_ref, vq_ref, out_ref, loss_ref, acc):
    i = pl.program_id(0)

    @pl.when(i == 0)
    def _init():
        acc[0, 0] = 0.0

    zp = zp_ref[:]
    diff = vq_ref[:] - zp
    out_ref[:] = zp + diff
    acc[0, 0] += jnp.sum(diff * diff)

    @pl.when(i == pl.num_programs(0) - 1)
    def _out():
        loss_ref[:] = jnp.full((1, 1), acc[0, 0], jnp.float32)


def _st_loss(zp_flat, vq):
    grid = (K_DIM // TM,)
    return pl.pallas_call(
        _st_body,
        grid=grid,
        in_specs=[
            pl.BlockSpec((TM, E_DIM), lambda i: (i, 0)),
            pl.BlockSpec((TM, E_DIM), lambda i: (i, 0)),
        ],
        out_specs=[
            pl.BlockSpec((TM, E_DIM), lambda i: (i, 0)),
            pl.BlockSpec((1, 1), lambda i: (0, 0)),
        ],
        out_shape=[
            jax.ShapeDtypeStruct((K_DIM, E_DIM), jnp.float32),
            jax.ShapeDtypeStruct((1, 1), jnp.float32),
        ],
        scratch_shapes=[pltpu.SMEM((1, 1), jnp.float32)],
        compiler_params=pltpu.CompilerParams(
            dimension_semantics=("arbitrary",),
        ),
    )(zp_flat, vq)


def kernel(z, W):
    zp = jnp.transpose(z, (0, 2, 3, 1))
    z_flat = zp.reshape(-1, E_DIM)
    zn = jnp.sum(z_flat ** 2, axis=1, keepdims=True)
    wn = jnp.sum(W ** 2, axis=1).reshape(1, K_DIM)
    z_bf = z_flat.astype(jnp.bfloat16)
    w_bf = W.astype(jnp.bfloat16)

    idx = _vq_argmin(z_bf, w_bf, zn, wn).reshape(-1)

    Wb = W.astype(jnp.bfloat16).astype(jnp.float32)
    vq = _sc_gather(Wb, idx)

    vq_out_flat, s = _st_loss(z_flat, vq)
    mean_sq = s[0, 0] / N_ELEM
    loss = mean_sq + BETA * mean_sq
    vq_out = vq_out_flat.reshape(zp.shape)
    vq_out = jnp.transpose(vq_out, (0, 3, 1, 2))
    return (loss, vq_out)

# --- scband reference (transcript-rebuilt; emitter-appended) ---
"""Pipeline reference for scband-embedding-24343874634363 (READ-ONLY COPY).

The authoritative reference and input builder live on the scoring server;
editing this copy changes nothing except your own understanding.
"""

import jax, jax.numpy as jnp
import numpy as np

K_DIM = 8192
E_DIM = 256
BETA = 0.25

def setup_inputs(seed: int = 0):
    key = jax.random.key(seed)
    k1, k2 = jax.random.split(key)
    z = jax.random.normal(k1, (8, 256, 32, 32), dtype=jnp.float32)
    W = jax.random.uniform(k2, (K_DIM, E_DIM), dtype=jnp.float32, minval=-1.0 / K_DIM, maxval=1.0 / K_DIM)
    return {"z": z, "W": W}

def reference(z, W):
    # z: [B, C, H, W] -> [B, H, W, C]
    zp = jnp.transpose(z, (0, 2, 3, 1))
    z_flat = zp.reshape(-1, E_DIM)
    # squared L2 distances to every codebook entry
    distance = (jnp.sum(z_flat ** 2, axis=1, keepdims=True)
                + jnp.sum(W ** 2, axis=1)
                - 2.0 * jnp.matmul(z_flat, W.T))
    min_enc_idx = jnp.argmin(distance, axis=1)
    # one-hot encodings (scatter of 1s), then matmul to gather codes
    min_enc = jax.nn.one_hot(min_enc_idx, K_DIM, dtype=z_flat.dtype)
    vq_z = jnp.matmul(min_enc, W).reshape(zp.shape)
    # commitment + codebook loss (MSELoss = mean over all elements)
    loss = (jnp.mean((jax.lax.stop_gradient(vq_z) - zp) ** 2)
            + BETA * jnp.mean((vq_z - jax.lax.stop_gradient(zp)) ** 2))
    # straight-through estimator
    vq_out = zp + jax.lax.stop_gradient(vq_z - zp)
    vq_out = jnp.transpose(vq_out, (0, 3, 1, 2))
    return (loss, vq_out)

if __name__ == "__main__":
    import jax
    _d = setup_inputs()
    print(jax.jit(kernel)(*tuple(_d.values())))

</pallas_src>

<mosaic_0001>
#map = affine_map<(d0, d1) -> (0, 0)>
#map1 = affine_map<(d0, d1) -> (0)>
module attributes {stable_mosaic.version = 14 : i64} {
  func.func @gather(%arg0: i32, %arg1: i32, %arg2: memref<8192x256xf32, #tpu.memory_space<hbm>>, %arg3: memref<8192xi32, #tpu.memory_space<hbm>>, %arg4: memref<8192x256xf32, #tpu.memory_space<hbm>>, %arg5: memref<128xi32, #tpu.memory_space<vmem>>, %arg6: memref<128x256xf32, #tpu.memory_space<vmem>>, %arg7: memref<!tpu.dma_semaphore, #tpu.memory_space<semaphore_mem>>) attributes {dimension_semantics = [#tpu.dimension_semantics<core_parallel>, #tpu.dimension_semantics<subcore_parallel>], iteration_bounds = array<i64: 2, 16>, scalar_prefetch = 0 : i64, scratch_operands = 3 : i64, tpu.core_type = #tpu.core_type<sc_vector_subcore>, window_params = [{transform_indices = #map}, {transform_indices = #map1}, {transform_indices = #map}]} {
    %mul3A = arith.constant 2 : i32
    %mul3A_0 = arith.muli %arg1, %mul3A : i32
    %add3A = arith.addi %mul3A_0, %arg0 : i32
    %mul3A_1 = arith.constant 256 : i32
    %mul3A_2 = arith.muli %add3A, %mul3A_1 : i32
    %add3A_3 = arith.constant 0 : i32
    %add3A_4 = arith.addi %mul3A_2, %add3A_3 : i32
    "tpu.region"() ({
      %run_scoped3A = tpu.sem_alloc : memref<!tpu.dma_semaphore, #tpu.memory_space<semaphore_mem>>
      %dma_start3A_19 = tpu.memref_slice %arg3[%add3A_4] : memref<8192xi32, #tpu.memory_space<hbm>> -> memref<128xi32, #tpu.memory_space<hbm>>
      %dma_start3A_20 = tpu.memref_slice %arg3[%add3A_4] : memref<8192xi32, #tpu.memory_space<hbm>> -> memref<128xi32, #tpu.memory_space<hbm>>
      tpu.enqueue_dma source(%dma_start3A_20 : memref<128xi32, #tpu.memory_space<hbm>>) target(%arg5 : memref<128xi32, #tpu.memory_space<vmem>>) target_semaphore(%run_scoped3A : memref<!tpu.dma_semaphore, #tpu.memory_space<semaphore_mem>>)
      %dma_wait3A_21 = tpu.memref_slice %arg3[%add3A_4] : memref<8192xi32, #tpu.memory_space<hbm>> -> memref<128xi32, #tpu.memory_space<hbm>>
      %dma_wait3A_22 = tpu.memref_slice %arg3[%add3A_4] : memref<8192xi32, #tpu.memory_space<hbm>> -> memref<128xi32, #tpu.memory_space<hbm>>
      tpu.wait_dma2 semaphore(%run_scoped3A : memref<!tpu.dma_semaphore, #tpu.memory_space<semaphore_mem>>) src(%dma_wait3A_22 : memref<128xi32, #tpu.memory_space<hbm>>) dst(%arg5 : memref<128xi32, #tpu.memory_space<vmem>>)
      tpu.yield
    }) : () -> ()
    %dma_start3A = arith.constant 0 : i32
    %dma_start3A_5 = arith.constant 0 : i32
    %dma_start3A_6 = tpu.memref_slice %arg2[%dma_start3A, %dma_start3A_5] : memref<8192x256xf32, #tpu.memory_space<hbm>> -> memref<8192x256xf32, #tpu.memory_space<hbm>>
    tpu.enqueue_indirect_dma source(%dma_start3A_6 : memref<8192x256xf32, #tpu.memory_space<hbm>>) target(%arg6 : memref<128x256xf32, #tpu.memory_space<vmem>>) offsets(%arg5 : memref<128xi32, #tpu.memory_space<vmem>>) semaphore(%arg7 : memref<!tpu.dma_semaphore, #tpu.memory_space<semaphore_mem>>)
    %dma_wait3A = arith.constant 0 : i32
    %dma_wait3A_7 = arith.constant 0 : i32
    %dma_wait3A_8 = tpu.memref_slice %arg2[%dma_wait3A, %dma_wait3A_7] : memref<8192x256xf32, #tpu.memory_space<hbm>> -> memref<8192x256xf32, #tpu.memory_space<hbm>>
    tpu.wait_indirect_dma semaphore(%arg7 : memref<!tpu.dma_semaphore, #tpu.memory_space<semaphore_mem>>) src(%dma_wait3A_8 : memref<8192x256xf32, #tpu.memory_space<hbm>>) dst(%arg6 : memref<128x256xf32, #tpu.memory_space<vmem>>)
    "tpu.region"() ({
      %run_scoped3A = tpu.sem_alloc : memref<!tpu.dma_semaphore, #tpu.memory_space<semaphore_mem>>
      %dma_start3A_19 = arith.constant 0 : i32
      %dma_start3A_20 = tpu.memref_slice %arg4[%add3A_4, %dma_start3A_19] : memref<8192x256xf32, #tpu.memory_space<hbm>> -> memref<128x256xf32, #tpu.memory_space<hbm>>
      %dma_start3A_21 = arith.constant 0 : i32
      %dma_start3A_22 = tpu.memref_slice %arg4[%add3A_4, %dma_start3A_21] : memref<8192x256xf32, #tpu.memory_space<hbm>> -> memref<128x256xf32, #tpu.memory_space<hbm>>
      tpu.enqueue_dma source(%arg6 : memref<128x256xf32, #tpu.memory_space<vmem>>) target(%dma_start3A_22 : memref<128x256xf32, #tpu.memory_space<hbm>>) target_semaphore(%run_scoped3A : memref<!tpu.dma_semaphore, #tpu.memory_space<semaphore_mem>>)
      %dma_wait3A_23 = arith.constant 0 : i32
      %dma_wait3A_24 = tpu.memref_slice %arg4[%add3A_4, %dma_wait3A_23] : memref<8192x256xf32, #tpu.memory_space<hbm>> -> memref<128x256xf32, #tpu.memory_space<hbm>>
      %dma_wait3A_25 = arith.constant 0 : i32
      %dma_wait3A_26 = tpu.memref_slice %arg4[%add3A_4, %dma_wait3A_25] : memref<8192x256xf32, #tpu.memory_space<hbm>> -> memref<128x256xf32, #tpu.memory_space<hbm>>
      tpu.wait_dma2 semaphore(%run_scoped3A : memref<!tpu.dma_semaphore, #tpu.memory_space<semaphore_mem>>) src(%arg6 : memref<128x256xf32, #tpu.memory_space<vmem>>) dst(%dma_wait3A_26 : memref<128x256xf32, #tpu.memory_space<hbm>>)
      tpu.yield
    }) : () -> ()
    %mul3A_9 = arith.constant 256 : i32
    %mul3A_10 = arith.muli %add3A, %mul3A_9 : i32
    %add3A_11 = arith.constant 128 : i32
    %add3A_12 = arith.addi %mul3A_10, %add3A_11 : i32
    "tpu.region"() ({
      %run_scoped3A = tpu.sem_alloc : memref<!tpu.dma_semaphore, #tpu.memory_space<semaphore_mem>>
      %dma_start3A_19 = tpu.memref_slice %arg3[%add3A_12] : memref<8192xi32, #tpu.memory_space<hbm>> -> memref<128xi32, #tpu.memory_space<hbm>>
      %dma_start3A_20 = tpu.memref_slice %arg3[%add3A_12] : memref<8192xi32, #tpu.memory_space<hbm>> -> memref<128xi32, #tpu.memory_space<hbm>>
      tpu.enqueue_dma source(%dma_start3A_20 : memref<128xi32, #tpu.memory_space<hbm>>) target(%arg5 : memref<128xi32, #tpu.memory_space<vmem>>) target_semaphore(%run_scoped3A : memref<!tpu.dma_semaphore, #tpu.memory_space<semaphore_mem>>)
      %dma_wait3A_21 = tpu.memref_slice %arg3[%add3A_12] : memref<8192xi32, #tpu.memory_space<hbm>> -> memref<128xi32, #tpu.memory_space<hbm>>
      %dma_wait3A_22 = tpu.memref_slice %arg3[%add3A_12] : memref<8192xi32, #tpu.memory_space<hbm>> -> memref<128xi32, #tpu.memory_space<hbm>>
      tpu.wait_dma2 semaphore(%run_scoped3A : memref<!tpu.dma_semaphore, #tpu.memory_space<semaphore_mem>>) src(%dma_wait3A_22 : memref<128xi32, #tpu.memory_space<hbm>>) dst(%arg5 : memref<128xi32, #tpu.memory_space<vmem>>)
      tpu.yield
    }) : () -> ()
    %dma_start3A_13 = arith.constant 0 : i32
    %dma_start3A_14 = arith.constant 0 : i32
    %dma_start3A_15 = tpu.memref_slice %arg2[%dma_start3A_13, %dma_start3A_14] : memref<8192x256xf32, #tpu.memory_space<hbm>> -> memref<8192x256xf32, #tpu.memory_space<hbm>>
    tpu.enqueue_indirect_dma source(%dma_start3A_15 : memref<8192x256xf32, #tpu.memory_space<hbm>>) target(%arg6 : memref<128x256xf32, #tpu.memory_space<vmem>>) offsets(%arg5 : memref<128xi32, #tpu.memory_space<vmem>>) semaphore(%arg7 : memref<!tpu.dma_semaphore, #tpu.memory_space<semaphore_mem>>)
    %dma_wait3A_16 = arith.constant 0 : i32
    %dma_wait3A_17 = arith.constant 0 : i32
    %dma_wait3A_18 = tpu.memref_slice %arg2[%dma_wait3A_16, %dma_wait3A_17] : memref<8192x256xf32, #tpu.memory_space<hbm>> -> memref<8192x256xf32, #tpu.memory_space<hbm>>
    tpu.wait_indirect_dma semaphore(%arg7 : memref<!tpu.dma_semaphore, #tpu.memory_space<semaphore_mem>>) src(%dma_wait3A_18 : memref<8192x256xf32, #tpu.memory_space<hbm>>) dst(%arg6 : memref<128x256xf32, #tpu.memory_space<vmem>>)
    "tpu.region"() ({
      %run_scoped3A = tpu.sem_alloc : memref<!tpu.dma_semaphore, #tpu.memory_space<semaphore_mem>>
      %dma_start3A_19 = arith.constant 0 : i32
      %dma_start3A_20 = tpu.memref_slice %arg4[%add3A_12, %dma_start3A_19] : memref<8192x256xf32, #tpu.memory_space<hbm>> -> memref<128x256xf32, #tpu.memory_space<hbm>>
      %dma_start3A_21 = arith.constant 0 : i32
      %dma_start3A_22 = tpu.memref_slice %arg4[%add3A_12, %dma_start3A_21] : memref<8192x256xf32, #tpu.memory_space<hbm>> -> memref<128x256xf32, #tpu.memory_space<hbm>>
      tpu.enqueue_dma source(%arg6 : memref<128x256xf32, #tpu.memory_space<vmem>>) target(%dma_start3A_22 : memref<128x256xf32, #tpu.memory_space<hbm>>) target_semaphore(%run_scoped3A : memref<!tpu.dma_semaphore, #tpu.memory_space<semaphore_mem>>)
      %dma_wait3A_23 = arith.constant 0 : i32
      %dma_wait3A_24 = tpu.memref_slice %arg4[%add3A_12, %dma_wait3A_23] : memref<8192x256xf32, #tpu.memory_space<hbm>> -> memref<128x256xf32, #tpu.memory_space<hbm>>
      %dma_wait3A_25 = arith.constant 0 : i32
      %dma_wait3A_26 = tpu.memref_slice %arg4[%add3A_12, %dma_wait3A_25] : memref<8192x256xf32, #tpu.memory_space<hbm>> -> memref<128x256xf32, #tpu.memory_space<hbm>>
      tpu.wait_dma2 semaphore(%run_scoped3A : memref<!tpu.dma_semaphore, #tpu.memory_space<semaphore_mem>>) src(%arg6 : memref<128x256xf32, #tpu.memory_space<vmem>>) dst(%dma_wait3A_26 : memref<128x256xf32, #tpu.memory_space<hbm>>)
      tpu.yield
    }) : () -> ()
    return
  }
}

module attributes {stable_mosaic.version = 14 : i64} {
  func.func @_argmin_body(%arg0: i32, %arg1: i32, %arg2: memref<512x1xf32, #tpu.memory_space<vmem>>, %arg3: memref<1x512xf32, #tpu.memory_space<vmem>>, %arg4: memref<512x256xbf16, #tpu.memory_space<vmem>>, %arg5: memref<512x256xbf16, #tpu.memory_space<vmem>>, %arg6: memref<512x1xi32, #tpu.memory_space<vmem>>, %arg7: memref<512x4xf32, #tpu.memory_space<vmem>>, %arg8: memref<512x4xi32, #tpu.memory_space<vmem>>) attributes {dimension_semantics = [#tpu.dimension_semantics<parallel>, #tpu.dimension_semantics<arbitrary>], iteration_bounds = array<i64: 16, 16>, scalar_prefetch = 0 : i64, scratch_operands = 2 : i64, tpu.core_type = #tpu.core_type<tc>, window_params = [{transform_indices = @transform_0, window_bounds = array<i64: 512, 1>}, {transform_indices = @transform_1, window_bounds = array<i64: 1, 512>}, {transform_indices = @transform_2, window_bounds = array<i64: 512, 256>}, {transform_indices = @transform_3, window_bounds = array<i64: 512, 256>}, {transform_indices = @transform_4, window_bounds = array<i64: 512, 1>}]} {
    %eq3A = arith.constant 0 : i32
    %eq3A_0 = arith.cmpi eq, %arg1, %eq3A : i32
    %convert_element_type3A = arith.extui %eq3A_0 : i1 to i32
    %cond3A = arith.constant 0 : i32
    %cond3A_1 = arith.cmpi ne, %convert_element_type3A, %cond3A : i32
    scf.if %cond3A_1 {
      %broadcast_in_dim3A_182 = arith.constant 0x7F800000 : f32
      %broadcast_in_dim3A_183 = vector.broadcast %broadcast_in_dim3A_182 : f32 to vector<512x4xf32>
      %swap3A_184 = arith.constant 0 : index
      %swap3A_185 = arith.constant 0 : index
      %swap3A_186 = vector.load %arg7[%swap3A_184, %swap3A_185] : memref<512x4xf32, #tpu.memory_space<vmem>>, vector<512x4xf32>
      tpu.vector_store %arg7[%swap3A_184, %swap3A_185], %broadcast_in_dim3A_183 {strides = array<i32>} : memref<512x4xf32, #tpu.memory_space<vmem>>, vector<512x4xf32>,
      %broadcast_in_dim3A_187 = arith.constant 0 : i32
      %broadcast_in_dim3A_188 = vector.broadcast %broadcast_in_dim3A_187 : i32 to vector<512x4xi32>
      %swap3A_189 = arith.constant 0 : index
      %swap3A_190 = arith.constant 0 : index
      %swap3A_191 = vector.load %arg8[%swap3A_189, %swap3A_190] : memref<512x4xi32, #tpu.memory_space<vmem>>, vector<512x4xi32>
      tpu.vector_store %arg8[%swap3A_189, %swap3A_190], %broadcast_in_dim3A_188 {strides = array<i32>} : memref<512x4xi32, #tpu.memory_space<vmem>>, vector<512x4xi32>,
    } else {
    }
    %get3A = arith.constant 0 : index
    %get3A_2 = arith.constant 0 : index
    %get3A_3 = vector.load %arg4[%get3A, %get3A_2] : memref<512x256xbf16, #tpu.memory_space<vmem>>, vector<512x256xbf16>
    %get3A_4 = arith.constant 0 : index
    %get3A_5 = arith.constant 0 : index
    %get3A_6 = vector.load %arg5[%get3A_4, %get3A_5] : memref<512x256xbf16, #tpu.memory_space<vmem>>, vector<512x256xbf16>
    %dot_general3A = arith.constant dense<0.000000e+00> : vector<512x512xf32>
    %dot_general3A_7 = tpu.matmul %get3A_3, %get3A_6, %dot_general3A {dimension_numbers = #tpu.dot_dimension_numbers<[1], [1], [0], [0], [0, 0, 1, 0], [], []>, transpose_lhs_hint = false} : vector<512x256xbf16>, vector<512x256xbf16>, vector<512x512xf32> -> vector<512x512xf32>
    %get3A_8 = arith.constant 0 : index
    %get3A_9 = arith.constant 0 : index
    %get3A_10 = vector.load %arg2[%get3A_8, %get3A_9] : memref<512x1xf32, #tpu.memory_space<vmem>>, vector<512x1xf32>
    %get3A_11 = arith.constant 0 : index
    %get3A_12 = arith.constant 0 : index
    %get3A_13 = vector.load %arg3[%get3A_11, %get3A_12] : memref<1x512xf32, #tpu.memory_space<vmem>>, vector<1x512xf32>
    %add3A = vector.broadcast %get3A_10 : vector<512x1xf32> to vector<512x512xf32>
    %add3A_14 = vector.broadcast %get3A_13 : vector<1x512xf32> to vector<512x512xf32>
    %add3A_15 = arith.addf %add3A, %add3A_14 : vector<512x512xf32>
    %mul3A = arith.constant 2.000000e+00 : f32
    %mul3A_16 = vector.broadcast %mul3A : f32 to vector<512x512xf32>
    %mul3A_17 = arith.mulf %mul3A_16, %dot_general3A_7 : vector<512x512xf32>
    %sub3A = arith.subf %add3A_15, %mul3A_17 : vector<512x512xf32>
    %reduce_min3A = arith.constant dense<0x7F800000> : vector<512xf32>
    %reduce_min3A_18 = vector.multi_reduction <minimumf>, %sub3A, %reduce_min3A [1] : vector<512x512xf32> to vector<512xf32>
    %broadcast_in_dim3A = vector.shape_cast %reduce_min3A_18 : vector<512xf32> to vector<512x1xf32>
    %mul3A_19 = arith.constant 512 : i32
    %mul3A_20 = arith.muli %arg1, %mul3A_19 : i32
    %iota3A = tpu.iota {dimensions = array<i32: 1>} : vector<512x512xi32>
    %add3A_21 = vector.broadcast %mul3A_20 : i32 to vector<512x512xi32>
    %add3A_22 = arith.addi %add3A_21, %iota3A : vector<512x512xi32>
    %eq3A_23 = vector.broadcast %broadcast_in_dim3A : vector<512x1xf32> to vector<512x512xf32>
    %eq3A_24 = arith.cmpf oeq, %sub3A, %eq3A_23 : vector<512x512xf32>
    %jit3A = arith.constant 8192 : i32
    %broadcast_in_dim3A_25 = vector.broadcast %jit3A : i32 to vector<512x512xi32>
    %select_n3A = arith.select %eq3A_24, %add3A_22, %broadcast_in_dim3A_25 : vector<512x512xi1>, vector<512x512xi32>
    %reduce_min3A_26 = arith.constant dense<2147483647> : vector<512xi32>
    %reduce_min3A_27 = vector.multi_reduction <minsi>, %select_n3A, %reduce_min3A_26 [1] : vector<512x512xi32> to vector<512xi32>
    %broadcast_in_dim3A_28 = vector.shape_cast %reduce_min3A_27 : vector<512xi32> to vector<512x1xi32>
    %get3A_29 = arith.constant 0 : index
    %get3A_30 = arith.constant 0 : index
    %get3A_31 = vector.load %arg7[%get3A_29, %get3A_30] : memref<512x4xf32, #tpu.memory_space<vmem>>, vector<512x1xf32>
    %get3A_32 = arith.constant 0 : index
    %get3A_33 = arith.constant 0 : index
    %get3A_34 = vector.load %arg8[%get3A_32, %get3A_33] : memref<512x4xi32, #tpu.memory_space<vmem>>, vector<512x1xi32>
    %jit3A_35 = arith.constant 4 : i32
    %div3A = arith.divsi %arg1, %jit3A_35 : i32
    %sign3A = arith.constant 0 : i32
    %sign3A_36 = arith.cmpi sgt, %arg1, %sign3A : i32
    %sign3A_37 = arith.extui %sign3A_36 : i1 to i32
    %sign3A_38 = arith.constant 0 : i32
    %sign3A_39 = arith.cmpi slt, %arg1, %sign3A_38 : i32
    %sign3A_40 = arith.extui %sign3A_39 : i1 to i32
    %sign3A_41 = arith.subi %sign3A_37, %sign3A_40 : i32
    %sign3A_42 = arith.constant 0 : i32
    %sign3A_43 = arith.cmpi sgt, %jit3A_35, %sign3A_42 : i32
    %sign3A_44 = arith.extui %sign3A_43 : i1 to i32
    %sign3A_45 = arith.constant 0 : i32
    %sign3A_46 = arith.cmpi slt, %jit3A_35, %sign3A_45 : i32
    %sign3A_47 = arith.extui %sign3A_46 : i1 to i32
    %sign3A_48 = arith.subi %sign3A_44, %sign3A_47 : i32
    %ne3A = arith.cmpi ne, %sign3A_41, %sign3A_48 : i32
    %rem3A = arith.remsi %arg1, %jit3A_35 : i32
    %ne3A_49 = arith.constant 0 : i32
    %ne3A_50 = arith.cmpi ne, %rem3A, %ne3A_49 : i32
    %and3A = arith.andi %ne3A, %ne3A_50 : i1
    %sub3A_51 = arith.constant 1 : i32
    %sub3A_52 = arith.subi %div3A, %sub3A_51 : i32
    %select_n3A_53 = arith.select %and3A, %sub3A_52, %div3A : i32
    %eq3A_54 = arith.constant 0 : i32
    %eq3A_55 = arith.cmpi eq, %select_n3A_53, %eq3A_54 : i32
    %lt3A = arith.cmpf olt, %broadcast_in_dim3A, %get3A_31 : vector<512x1xf32>
    %and3A_56 = vector.broadcast %eq3A_55 : i1 to vector<512x1xi1>
    %and3A_57 = arith.andi %and3A_56, %lt3A : vector<512x1xi1>
    %select_n3A_58 = arith.select %and3A_57, %broadcast_in_dim3A, %get3A_31 : vector<512x1xi1>, vector<512x1xf32>
    %select_n3A_59 = arith.select %and3A_57, %broadcast_in_dim3A_28, %get3A_34 : vector<512x1xi1>, vector<512x1xi32>
    %get3A_60 = arith.constant 0 : index
    %get3A_61 = arith.constant 1 : index
    %get3A_62 = vector.load %arg7[%get3A_60, %get3A_61] : memref<512x4xf32, #tpu.memory_space<vmem>>, vector<512x1xf32>
    %get3A_63 = arith.constant 0 : index
    %get3A_64 = arith.constant 1 : index
    %get3A_65 = vector.load %arg8[%get3A_63, %get3A_64] : memref<512x4xi32, #tpu.memory_space<vmem>>, vector<512x1xi32>
    %jit3A_66 = arith.constant 4 : i32
    %div3A_67 = arith.divsi %arg1, %jit3A_66 : i32
    %sign3A_68 = arith.constant 0 : i32
    %sign3A_69 = arith.cmpi sgt, %arg1, %sign3A_68 : i32
    %sign3A_70 = arith.extui %sign3A_69 : i1 to i32
    %sign3A_71 = arith.constant 0 : i32
    %sign3A_72 = arith.cmpi slt, %arg1, %sign3A_71 : i32
    %sign3A_73 = arith.extui %sign3A_72 : i1 to i32
    %sign3A_74 = arith.subi %sign3A_70, %sign3A_73 : i32
    %sign3A_75 = arith.constant 0 : i32
    %sign3A_76 = arith.cmpi sgt, %jit3A_66, %sign3A_75 : i32
    %sign3A_77 = arith.extui %sign3A_76 : i1 to i32
    %sign3A_78 = arith.constant 0 : i32
    %sign3A_79 = arith.cmpi slt, %jit3A_66, %sign3A_78 : i32
    %sign3A_80 = arith.extui %sign3A_79 : i1 to i32
    %sign3A_81 = arith.subi %sign3A_77, %sign3A_80 : i32
    %ne3A_82 = arith.cmpi ne, %sign3A_74, %sign3A_81 : i32
    %rem3A_83 = arith.remsi %arg1, %jit3A_66 : i32
    %ne3A_84 = arith.constant 0 : i32
    %ne3A_85 = arith.cmpi ne, %rem3A_83, %ne3A_84 : i32
    %and3A_86 = arith.andi %ne3A_82, %ne3A_85 : i1
    %sub3A_87 = arith.constant 1 : i32
    %sub3A_88 = arith.subi %div3A_67, %sub3A_87 : i32
    %select_n3A_89 = arith.select %and3A_86, %sub3A_88, %div3A_67 : i32
    %eq3A_90 = arith.constant 1 : i32
    %eq3A_91 = arith.cmpi eq, %select_n3A_89, %eq3A_90 : i32
    %lt3A_92 = arith.cmpf olt, %broadcast_in_dim3A, %get3A_62 : vector<512x1xf32>
    %and3A_93 = vector.broadcast %eq3A_91 : i1 to vector<512x1xi1>
    %and3A_94 = arith.andi %and3A_93, %lt3A_92 : vector<512x1xi1>
    %select_n3A_95 = arith.select %and3A_94, %broadcast_in_dim3A, %get3A_62 : vector<512x1xi1>, vector<512x1xf32>
    %select_n3A_96 = arith.select %and3A_94, %broadcast_in_dim3A_28, %get3A_65 : vector<512x1xi1>, vector<512x1xi32>
    %get3A_97 = arith.constant 0 : index
    %get3A_98 = arith.constant 2 : index
    %get3A_99 = vector.load %arg7[%get3A_97, %get3A_98] : memref<512x4xf32, #tpu.memory_space<vmem>>, vector<512x1xf32>
    %get3A_100 = arith.constant 0 : index
    %get3A_101 = arith.constant 2 : index
    %get3A_102 = vector.load %arg8[%get3A_100, %get3A_101] : memref<512x4xi32, #tpu.memory_space<vmem>>, vector<512x1xi32>
    %jit3A_103 = arith.constant 4 : i32
    %div3A_104 = arith.divsi %arg1, %jit3A_103 : i32
    %sign3A_105 = arith.constant 0 : i32
    %sign3A_106 = arith.cmpi sgt, %arg1, %sign3A_105 : i32
    %sign3A_107 = arith.extui %sign3A_106 : i1 to i32
    %sign3A_108 = arith.constant 0 : i32
    %sign3A_109 = arith.cmpi slt, %arg1, %sign3A_108 : i32
    %sign3A_110 = arith.extui %sign3A_109 : i1 to i32
    %sign3A_111 = arith.subi %sign3A_107, %sign3A_110 : i32
    %sign3A_112 = arith.constant 0 : i32
    %sign3A_113 = arith.cmpi sgt, %jit3A_103, %sign3A_112 : i32
    %sign3A_114 = arith.extui %sign3A_113 : i1 to i32
    %sign3A_115 = arith.constant 0 : i32
    %sign3A_116 = arith.cmpi slt, %jit3A_103, %sign3A_115 : i32
    %sign3A_117 = arith.extui %sign3A_116 : i1 to i32
    %sign3A_118 = arith.subi %sign3A_114, %sign3A_117 : i32
    %ne3A_119 = arith.cmpi ne, %sign3A_111, %sign3A_118 : i32
    %rem3A_120 = arith.remsi %arg1, %jit3A_103 : i32
    %ne3A_121 = arith.constant 0 : i32
    %ne3A_122 = arith.cmpi ne, %rem3A_120, %ne3A_121 : i32
    %and3A_123 = arith.andi %ne3A_119, %ne3A_122 : i1
    %sub3A_124 = arith.constant 1 : i32
    %sub3A_125 = arith.subi %div3A_104, %sub3A_124 : i32
    %select_n3A_126 = arith.select %and3A_123, %sub3A_125, %div3A_104 : i32
    %eq3A_127 = arith.constant 2 : i32
    %eq3A_128 = arith.cmpi eq, %select_n3A_126, %eq3A_127 : i32
    %lt3A_129 = arith.cmpf olt, %broadcast_in_dim3A, %get3A_99 : vector<512x1xf32>
    %and3A_130 = vector.broadcast %eq3A_128 : i1 to vector<512x1xi1>
    %and3A_131 = arith.andi %and3A_130, %lt3A_129 : vector<512x1xi1>
    %select_n3A_132 = arith.select %and3A_131, %broadcast_in_dim3A, %get3A_99 : vector<512x1xi1>, vector<512x1xf32>
    %select_n3A_133 = arith.select %and3A_131, %broadcast_in_dim3A_28, %get3A_102 : vector<512x1xi1>, vector<512x1xi32>
    %get3A_134 = arith.constant 0 : index
    %get3A_135 = arith.constant 3 : index
    %get3A_136 = vector.load %arg7[%get3A_134, %get3A_135] : memref<512x4xf32, #tpu.memory_space<vmem>>, vector<512x1xf32>
    %get3A_137 = arith.constant 0 : index
    %get3A_138 = arith.constant 3 : index
    %get3A_139 = vector.load %arg8[%get3A_137, %get3A_138] : memref<512x4xi32, #tpu.memory_space<vmem>>, vector<512x1xi32>
    %jit3A_140 = arith.constant 4 : i32
    %div3A_141 = arith.divsi %arg1, %jit3A_140 : i32
    %sign3A_142 = arith.constant 0 : i32
    %sign3A_143 = arith.cmpi sgt, %arg1, %sign3A_142 : i32
    %sign3A_144 = arith.extui %sign3A_143 : i1 to i32
    %sign3A_145 = arith.constant 0 : i32
    %sign3A_146 = arith.cmpi slt, %arg1, %sign3A_145 : i32
    %sign3A_147 = arith.extui %sign3A_146 : i1 to i32
    %sign3A_148 = arith.subi %sign3A_144, %sign3A_147 : i32
    %sign3A_149 = arith.constant 0 : i32
    %sign3A_150 = arith.cmpi sgt, %jit3A_140, %sign3A_149 : i32
    %sign3A_151 = arith.extui %sign3A_150 : i1 to i32
    %sign3A_152 = arith.constant 0 : i32
    %sign3A_153 = arith.cmpi slt, %jit3A_140, %sign3A_152 : i32
    %sign3A_154 = arith.extui %sign3A_153 : i1 to i32
    %sign3A_155 = arith.subi %sign3A_151, %sign3A_154 : i32
    %ne3A_156 = arith.cmpi ne, %sign3A_148, %sign3A_155 : i32
    %rem3A_157 = arith.remsi %arg1, %jit3A_140 : i32
    %ne3A_158 = arith.constant 0 : i32
    %ne3A_159 = arith.cmpi ne, %rem3A_157, %ne3A_158 : i32
    %and3A_160 = arith.andi %ne3A_156, %ne3A_159 : i1
    %sub3A_161 = arith.constant 1 : i32
    %sub3A_162 = arith.subi %div3A_141, %sub3A_161 : i32
    %select_n3A_163 = arith.select %and3A_160, %sub3A_162, %div3A_141 : i32
    %eq3A_164 = arith.constant 3 : i32
    %eq3A_165 = arith.cmpi eq, %select_n3A_163, %eq3A_164 : i32
    %lt3A_166 = arith.cmpf olt, %broadcast_in_dim3A, %get3A_136 : vector<512x1xf32>
    %and3A_167 = vector.broadcast %eq3A_165 : i1 to vector<512x1xi1>
    %and3A_168 = arith.andi %and3A_167, %lt3A_166 : vector<512x1xi1>
    %select_n3A_169 = arith.select %and3A_168, %broadcast_in_dim3A, %get3A_136 : vector<512x1xi1>, vector<512x1xf32>
    %select_n3A_170 = arith.select %and3A_168, %broadcast_in_dim3A_28, %get3A_139 : vector<512x1xi1>, vector<512x1xi32>
    %concatenate3A = tpu.concatenate %select_n3A_58, %select_n3A_95, %select_n3A_132, %select_n3A_169 in 1 : vector<512x1xf32>, vector<512x1xf32>, vector<512x1xf32>, vector<512x1xf32> -> vector<512x4xf32>
    %swap3A = arith.constant 0 : index
    %swap3A_171 = arith.constant 0 : index
    %swap3A_172 = vector.load %arg7[%swap3A, %swap3A_171] : memref<512x4xf32, #tpu.memory_space<vmem>>, vector<512x4xf32>
    tpu.vector_store %arg7[%swap3A, %swap3A_171], %concatenate3A {strides = array<i32>} : memref<512x4xf32, #tpu.memory_space<vmem>>, vector<512x4xf32>,
    %concatenate3A_173 = tpu.concatenate %select_n3A_59, %select_n3A_96, %select_n3A_133, %select_n3A_170 in 1 : vector<512x1xi32>, vector<512x1xi32>, vector<512x1xi32>, vector<512x1xi32> -> vector<512x4xi32>
    %swap3A_174 = arith.constant 0 : index
    %swap3A_175 = arith.constant 0 : index
    %swap3A_176 = vector.load %arg8[%swap3A_174, %swap3A_175] : memref<512x4xi32, #tpu.memory_space<vmem>>, vector<512x4xi32>
    tpu.vector_store %arg8[%swap3A_174, %swap3A_175], %concatenate3A_173 {strides = array<i32>} : memref<512x4xi32, #tpu.memory_space<vmem>>, vector<512x4xi32>,
    %eq3A_177 = arith.constant 15 : i32
    %eq3A_178 = arith.cmpi eq, %arg1, %eq3A_177 : i32
    %convert_element_type3A_179 = arith.extui %eq3A_178 : i1 to i32
    %cond3A_180 = arith.constant 0 : i32
    %cond3A_181 = arith.cmpi ne, %convert_element_type3A_179, %cond3A_180 : i32
    scf.if %cond3A_181 {
      %get3A_182 = arith.constant 0 : index
      %get3A_183 = arith.constant 0 : index
      %get3A_184 = vector.load %arg7[%get3A_182, %get3A_183] : memref<512x4xf32, #tpu.memory_space<vmem>>, vector<512x1xf32>
      %get3A_185 = arith.constant 0 : index
      %get3A_186 = arith.constant 0 : index
      %get3A_187 = vector.load %arg8[%get3A_185, %get3A_186] : memref<512x4xi32, #tpu.memory_space<vmem>>, vector<512x1xi32>
      %get3A_188 = arith.constant 0 : index
      %get3A_189 = arith.constant 1 : index
      %get3A_190 = vector.load %arg7[%get3A_188, %get3A_189] : memref<512x4xf32, #tpu.memory_space<vmem>>, vector<512x1xf32>
      %get3A_191 = arith.constant 0 : index
      %get3A_192 = arith.constant 1 : index
      %get3A_193 = vector.load %arg8[%get3A_191, %get3A_192] : memref<512x4xi32, #tpu.memory_space<vmem>>, vector<512x1xi32>
      %convert_element_type3A_194 = arith.truncf %get3A_184 : vector<512x1xf32> to vector<512x1xbf16>
      %convert_element_type3A_195 = arith.extf %convert_element_type3A_194 : vector<512x1xbf16> to vector<512x1xf32>
      %lt3A_196 = arith.cmpf olt, %get3A_190, %convert_element_type3A_195 : vector<512x1xf32>
      %select_n3A_197 = arith.select %lt3A_196, %get3A_190, %get3A_184 : vector<512x1xi1>, vector<512x1xf32>
      %select_n3A_198 = arith.select %lt3A_196, %get3A_193, %get3A_187 : vector<512x1xi1>, vector<512x1xi32>
      %get3A_199 = arith.constant 0 : index
      %get3A_200 = arith.constant 2 : index
      %get3A_201 = vector.load %arg7[%get3A_199, %get3A_200] : memref<512x4xf32, #tpu.memory_space<vmem>>, vector<512x1xf32>
      %get3A_202 = arith.constant 0 : index
      %get3A_203 = arith.constant 2 : index
      %get3A_204 = vector.load %arg8[%get3A_202, %get3A_203] : memref<512x4xi32, #tpu.memory_space<vmem>>, vector<512x1xi32>
      %convert_element_type3A_205 = arith.truncf %select_n3A_197 : vector<512x1xf32> to vector<512x1xbf16>
      %convert_element_type3A_206 = arith.extf %convert_element_type3A_205 : vector<512x1xbf16> to vector<512x1xf32>
      %lt3A_207 = arith.cmpf olt, %get3A_201, %convert_element_type3A_206 : vector<512x1xf32>
      %select_n3A_208 = arith.select %lt3A_207, %get3A_201, %select_n3A_197 : vector<512x1xi1>, vector<512x1xf32>
      %select_n3A_209 = arith.select %lt3A_207, %get3A_204, %select_n3A_198 : vector<512x1xi1>, vector<512x1xi32>
      %get3A_210 = arith.constant 0 : index
      %get3A_211 = arith.constant 3 : index
      %get3A_212 = vector.load %arg7[%get3A_210, %get3A_211] : memref<512x4xf32, #tpu.memory_space<vmem>>, vector<512x1xf32>
      %get3A_213 = arith.constant 0 : index
      %get3A_214 = arith.constant 3 : index
      %get3A_215 = vector.load %arg8[%get3A_213, %get3A_214] : memref<512x4xi32, #tpu.memory_space<vmem>>, vector<512x1xi32>
      %convert_element_type3A_216 = arith.truncf %select_n3A_208 : vector<512x1xf32> to vector<512x1xbf16>
      %convert_element_type3A_217 = arith.extf %convert_element_type3A_216 : vector<512x1xbf16> to vector<512x1xf32>
      %lt3A_218 = arith.cmpf olt, %get3A_212, %convert_element_type3A_217 : vector<512x1xf32>
      %select_n3A_219 = arith.select %lt3A_218, %get3A_215, %select_n3A_209 : vector<512x1xi1>, vector<512x1xi32>
      %swap3A_220 = arith.constant 0 : index
      %swap3A_221 = arith.constant 0 : index
      %swap3A_222 = vector.load %arg6[%swap3A_220, %swap3A_221] : memref<512x1xi32, #tpu.memory_space<vmem>>, vector<512x1xi32>
      tpu.vector_store %arg6[%swap3A_220, %swap3A_221], %select_n3A_219 {strides = array<i32>} : memref<512x1xi32, #tpu.memory_space<vmem>>, vector<512x1xi32>,
    } else {
    }
    return
  }
  func.func @transform_0(%arg0: i32, %arg1: i32) -> (i32, i32) {
    %c0_i32 = arith.constant 0 : i32
    %c0_i32_0 = arith.constant 0 : i32
    return %arg0, %c0_i32 : i32, i32
  }
  func.func @transform_1(%arg0: i32, %arg1: i32) -> (i32, i32) {
    %c0_i32 = arith.constant 0 : i32
    %c0_i32_0 = arith.constant 0 : i32
    return %c0_i32, %arg1 : i32, i32
  }
  func.func @transform_2(%arg0: i32, %arg1: i32) -> (i32, i32) {
    %c0_i32 = arith.constant 0 : i32
    %c0_i32_0 = arith.constant 0 : i32
    return %arg0, %c0_i32 : i32, i32
  }
  func.func @transform_3(%arg0: i32, %arg1: i32) -> (i32, i32) {
    %c0_i32 = arith.constant 0 : i32
    %c0_i32_0 = arith.constant 0 : i32
    return %arg1, %c0_i32 : i32, i32
  }
  func.func @transform_4(%arg0: i32, %arg1: i32) -> (i32, i32) {
    %c0_i32 = arith.constant 0 : i32
    %c0_i32_0 = arith.constant 0 : i32
    return %arg0, %c0_i32 : i32, i32
  }
}

module attributes {stable_mosaic.version = 14 : i64} {
  func.func @_st_body(%arg0: i32, %arg1: memref<512x256xf32, #tpu.memory_space<vmem>>, %arg2: memref<512x256xf32, #tpu.memory_space<vmem>>, %arg3: memref<512x256xf32, #tpu.memory_space<vmem>>, %arg4: memref<1x1xf32, #tpu.memory_space<vmem>>, %arg5: memref<1x1xf32, #tpu.memory_space<smem>>) attributes {dimension_semantics = [#tpu.dimension_semantics<arbitrary>], iteration_bounds = array<i64: 16>, scalar_prefetch = 0 : i64, scratch_operands = 1 : i64, tpu.core_type = #tpu.core_type<tc>, window_params = [{transform_indices = @transform_0, window_bounds = array<i64: 512, 256>}, {transform_indices = @transform_1, window_bounds = array<i64: 512, 256>}, {transform_indices = @transform_2, window_bounds = array<i64: 512, 256>}, {pipeline_mode = #tpu.pipeline_mode<synchronous>, transform_indices = @transform_3, window_bounds = array<i64: 1, 1>}]} {
    %eq3A = arith.constant 0 : i32
    %eq3A_0 = arith.cmpi eq, %arg0, %eq3A : i32
    %convert_element_type3A = arith.extui %eq3A_0 : i1 to i32
    %cond3A = arith.constant 0 : i32
    %cond3A_1 = arith.cmpi ne, %convert_element_type3A, %cond3A : i32
    scf.if %cond3A_1 {
      %swap3A_25 = arith.constant 0.000000e+00 : f32
      %swap3A_26 = arith.constant 0 : index
      %swap3A_27 = arith.constant 0 : index
      %swap3A_28 = memref.load %arg5[%swap3A_26, %swap3A_27] : memref<1x1xf32, #tpu.memory_space<smem>>
      memref.store %swap3A_25, %arg5[%swap3A_26, %swap3A_27] : memref<1x1xf32, #tpu.memory_space<smem>>
    } else {
    }
    %get3A = arith.constant 0 : index
    %get3A_2 = arith.constant 0 : index
    %get3A_3 = vector.load %arg1[%get3A, %get3A_2] : memref<512x256xf32, #tpu.memory_space<vmem>>, vector<512x256xf32>
    %get3A_4 = arith.constant 0 : index
    %get3A_5 = arith.constant 0 : index
    %get3A_6 = vector.load %arg2[%get3A_4, %get3A_5] : memref<512x256xf32, #tpu.memory_space<vmem>>, vector<512x256xf32>
    %sub3A = arith.subf %get3A_6, %get3A_3 : vector<512x256xf32>
    %add3A = arith.addf %get3A_3, %sub3A : vector<512x256xf32>
    %swap3A = arith.constant 0 : index
    %swap3A_7 = arith.constant 0 : index
    %swap3A_8 = vector.load %arg3[%swap3A, %swap3A_7] : memref<512x256xf32, #tpu.memory_space<vmem>>, vector<512x256xf32>
    tpu.vector_store %arg3[%swap3A, %swap3A_7], %add3A {strides = array<i32>} : memref<512x256xf32, #tpu.memory_space<vmem>>, vector<512x256xf32>,
    %get3A_9 = arith.constant 0 : index
    %get3A_10 = arith.constant 0 : index
    %get3A_11 = memref.load %arg5[%get3A_9, %get3A_10] : memref<1x1xf32, #tpu.memory_space<smem>>
    %mul3A = arith.mulf %sub3A, %sub3A : vector<512x256xf32>
    %reduce_sum3A = vector.shape_cast %mul3A : vector<512x256xf32> to vector<1x512x256xf32>
    %reduce_sum3A_12 = arith.constant dense<0.000000e+00> : vector<1xf32>
    %reduce_sum3A_13 = vector.multi_reduction <add>, %reduce_sum3A, %reduce_sum3A_12 [1, 2] : vector<1x512x256xf32> to vector<1xf32>
    %reduce_sum3A_14 = vector.shape_cast %reduce_sum3A_13 : vector<1xf32> to vector<1x1x1xf32>
    %reduce_sum3A_15 = vector.extract %reduce_sum3A_14[0, 0, 0] : f32 from vector<1x1x1xf32>
    %add3A_16 = arith.addf %get3A_11, %reduce_sum3A_15 : f32
    %swap3A_17 = arith.constant 0 : index
    %swap3A_18 = arith.constant 0 : index
    %swap3A_19 = memref.load %arg5[%swap3A_17, %swap3A_18] : memref<1x1xf32, #tpu.memory_space<smem>>
    memref.store %add3A_16, %arg5[%swap3A_17, %swap3A_18] : memref<1x1xf32, #tpu.memory_space<smem>>
    %eq3A_20 = arith.constant 15 : i32
    %eq3A_21 = arith.cmpi eq, %arg0, %eq3A_20 : i32
    %convert_element_type3A_22 = arith.extui %eq3A_21 : i1 to i32
    %cond3A_23 = arith.constant 0 : i32
    %cond3A_24 = arith.cmpi ne, %convert_element_type3A_22, %cond3A_23 : i32
    scf.if %cond3A_24 {
      %get3A_25 = arith.constant 0 : index
      %get3A_26 = arith.constant 0 : index
      %get3A_27 = memref.load %arg5[%get3A_25, %get3A_26] : memref<1x1xf32, #tpu.memory_space<smem>>
      %broadcast_in_dim3A = vector.broadcast %get3A_27 : f32 to vector<1x1xf32>
      %swap3A_28 = arith.constant 0 : index
      %swap3A_29 = arith.constant 0 : index
      %swap3A_30 = vector.load %arg4[%swap3A_28, %swap3A_29] : memref<1x1xf32, #tpu.memory_space<vmem>>, vector<1x1xf32>
      tpu.vector_store %arg4[%swap3A_28, %swap3A_29], %broadcast_in_dim3A {strides = array<i32>} : memref<1x1xf32, #tpu.memory_space<vmem>>, vector<1x1xf32>,
    } else {
    }
    return
  }
  func.func @transform_0(%arg0: i32) -> (i32, i32) {
    %c0_i32 = arith.constant 0 : i32
    %c0_i32_0 = arith.constant 0 : i32
    return %arg0, %c0_i32 : i32, i32
  }
  func.func @transform_1(%arg0: i32) -> (i32, i32) {
    %c0_i32 = arith.constant 0 : i32
    %c0_i32_0 = arith.constant 0 : i32
    return %arg0, %c0_i32 : i32, i32
  }
  func.func @transform_2(%arg0: i32) -> (i32, i32) {
    %c0_i32 = arith.constant 0 : i32
    %c0_i32_0 = arith.constant 0 : i32
    return %arg0, %c0_i32 : i32, i32
  }
  func.func @transform_3(%arg0: i32) -> (i32, i32) {
    %c0_i32 = arith.constant 0 : i32
    %c0_i32_0 = arith.constant 0 : i32
    %c0_i32_1 = arith.constant 0 : i32
    return %c0_i32, %c0_i32_0 : i32, i32
  }
}

</mosaic_0001>

<sc_bundles>
// kernel: kernel.5.cloned.1.call-start
scs
__scs_entry_jumppad:
0x0: {  	(pc) =	sbr.rel $0x88, $3  }
0x1: {  	(tag) =	ssettag $0x0;
	lr =	simm.s32 $0x1  }
0x2: {  	[smem:$0x3F9F] =	sst lr;
	_ =	strace $0xD0000000  }
0x3: {  	_ = 	snop  }
0x4: {  	_ = 	snop  }
0x5: {  	_ = 	snop  }
0x6: {  	_ = 	snop  }
0x7: {  	_ = 	snop  }
__scs_overlays_trampoline_lowered:
0x8: {  	[smem:$0x3FAE] =	sst s0  }
0x9: {  	[smem:$0x3FAF] =	sst s1  }
0xa: {  	[smem:$0x3FB0] =	sst s2  }
0xb: {  	[smem:$0x3FB1] =	sst s3  }
0xc: {  	[smem:$0x3FB2] =	sst s4  }
0xd: {  	[smem:$0x3FB3] =	sst s5  }
0xe: {  	[smem:$0x3FB4] =	sst s6  }
0xf: {  	[smem:$0x3FB5] =	sst s7  }
0x10: {  	[smem:$0x3FB6] =	sst s8  }
0x11: {  	[smem:$0x3FB7] =	sst s9;
	s0 =	simm.s32 @!p0 $0x0  }
0x12: {  	s1 =	sld [smem:$0x3F9D];
	s0 =	simm.s32 @p0 $0x1  }
0x13: {  	[smem:$0x3FB8] =	sst s0;
	s0 =	simm.s32 @!p1 $0x0  }
0x14: {  	s2 =	sld [smem:$0x3F9C];
	s0 =	simm.s32 @p1 $0x1  }
0x15: {  	[smem:$0x3FB9] =	sst s0;
	s0 =	simm.s32 @!p2 $0x0  }
0x16: {  	s3 =	sld [smem:$0x3FDB];
	s0 =	simm.s32 @p2 $0x1  }
0x17: {  	s4 =	simm.s32 $0x1BF5;
	[smem:$0x3FBB] =	sst s0  }
0x18: {  	s0 =	sld [smem:$0x3F9E];
	_ =	swait.ge [sflag:s4], $0x0  }
0x19: {  	s7 =	sld [smem:$0x3F9F]  }
0x1a: {  	s8 =	sadd.s32 $0xFFFFE003, lr  }
0x1b: {  	s9 =	sadd.s32 $0xFFFFFEF7, lr;
	s5 =	simm.s32 $0xFFFFFFFF;
	p2 =	slt.u32 s8, $0xFFFFF086  }
0x1c: {  	p1 =	slt.u32 s9, $0xF7A;
	s5 =	simm.s32 @!p2 $0x0  }
0x1d: {  	s5 =	simm.s32 @p1 $0x1;
	p0 =	seq.s32 s7, s2  }
0x1e: {  	s7 =	smul.u32 @!p0 $0xF7A, s2;
	p2 =	seq.s32 @!p0 s5, $0x0  }
0x1f: {  	s9 =	smul.u32 $0xF7A, s1;
	s8 =	simm.s32 @!p0 $0x1BF5;
	p2 =	por !p2, p0  }
0x20: {  	[sflag:s8] =	ssyncset.s32 @!p0 $0xFFFFF086;
	s6 =	sadd.s32 @!p0 s3, s7;
	s7 =	simm.s32 @!p0 $0x108  }
0x21: {  	s3 =	sadd.s32 s3, s9;
	s6 =	sadd.s32 @!p0 $0x88, s6;
	s7 =	simm.s32 @p2 $0x1082  }
0x22: {  	[simem:s7], [sflag:s8] =	dma.local @!p0 [hbm:s6], $0xF7A  }
0x23: {  	s9 =	sor.u32 $0xD0000000, s2;
	s6 =	simm.s32 $0x108;
	_ =	swait.ge @!p0 [sflag:s8], $0x0  }
0x24: {  	s3 =	sadd.s32 $0x88, s3;
	s6 =	simm.s32 @!p1 $0x1082;
	[sflag:s4] =	ssyncset.s32 $0xFFFFF086  }
0x25: {  	[simem:s6], [sflag:s4] =	dma.local [hbm:s3], $0xF7A  }
0x26: {  	[smem:$0x3F9F] =	sst s1;
	(tag) =	ssettag s2;
	_ =	strace s9  }
0x27: {  	s1 =	sld [smem:$0x3FAF]  }
0x28: {  	s2 =	sld [smem:$0x3FB0]  }
0x29: {  	s4 =	sld [smem:$0x3FB2]  }
0x2a: {  	p0 =	seq.s32 s5, $0x0;
	s5 =	sld [smem:$0x3FB3]  }
0x2b: {  	s6 =	sld [smem:$0x3FB4]  }
0x2c: {  	s7 =	sld [smem:$0x3FB5]  }
0x2d: {  	s3 =	simm.s32 $0x108;
	s8 =	sld [smem:$0x3FB6]  }
0x2e: {  	s3 =	simm.s32 @!p0 $0x1082;
	s9 =	sld [smem:$0x3FB7]  }
0x2f: {  	lr =	sadd.s32 s0, s3;
	s0 =	sld [smem:$0x3FAE]  }
0x30: {  	s3 =	sld [smem:$0x3FB1]  }
0x31: {  	[smem:$0x3FBA] =	sst s10  }
0x32: {  	s10 =	sld [smem:$0x3FB8];
	_ =	sdelay $0x3  }
0x33: {  	p0 =	seq.s32 s10, $0x1;
	s10 =	sld [smem:$0x3FBA];
	_ =	sdelay $0x3  }
0x34: {  	[smem:$0x3FBA] =	sst s10  }
0x35: {  	s10 =	sld [smem:$0x3FB9];
	_ =	sdelay $0x3  }
0x36: {  	p1 =	seq.s32 s10, $0x1;
	s10 =	sld [smem:$0x3FBA];
	_ =	sdelay $0x3  }
0x37: {  	[smem:$0x3FBA] =	sst s10  }
0x38: {  	s10 =	sld [smem:$0x3FBB]  }
0x39: {  	_ = 	snop;
	(pc) =	sbr.ind lr, $3  }
0x3a: {  	_ = 	snop  }
0x3b: {  	_ = 	snop  }
0x3c: {  	p2 =	seq.s32 s10, $0x1;
	s10 =	sld [smem:$0x3FBA]  }
0x3d: {  	_ =	shalt  }
0x3e: {  	_ =	shalt  }
0x3f: {  	_ =	shalt  }
0x40: {  	_ =	shalt  }
0x41: {  	_ =	shalt  }
0x42: {  	_ =	shalt  }
0x43: {  	_ =	shalt  }
0x44: {  	_ =	shalt  }
0x45: {  	_ =	shalt  }
0x46: {  	_ =	shalt  }
0x47: {  	_ =	shalt  }
0x48: {  	_ =	shalt  }
0x49: {  	_ =	shalt  }
0x4a: {  	_ =	shalt  }
0x4b: {  	_ =	shalt  }
0x4c: {  	_ =	shalt  }
0x4d: {  	_ =	shalt  }
0x4e: {  	_ =	shalt  }
0x4f: {  	_ =	shalt  }
0x50: {  	_ =	shalt  }
0x51: {  	_ =	shalt  }
0x52: {  	_ =	shalt  }
0x53: {  	_ =	shalt  }
0x54: {  	_ =	shalt  }
0x55: {  	_ =	shalt  }
0x56: {  	_ =	shalt  }
0x57: {  	_ =	shalt  }
0x58: {  	_ =	shalt  }
0x59: {  	_ =	shalt  }
0x5a: {  	_ =	shalt  }
0x5b: {  	_ =	shalt  }
0x5c: {  	_ =	shalt  }
0x5d: {  	_ =	shalt  }
0x5e: {  	_ =	shalt  }
0x5f: {  	_ =	shalt  }
0x60: {  	_ =	shalt  }
0x61: {  	_ =	shalt  }
0x62: {  	_ =	shalt  }
0x63: {  	_ =	shalt  }
0x64: {  	_ =	shalt  }
0x65: {  	_ =	shalt  }
0x66: {  	_ =	shalt  }
0x67: {  	_ =	shalt  }
0x68: {  	_ =	shalt  }
0x69: {  	_ =	shalt  }
0x6a: {  	_ =	shalt  }
0x6b: {  	_ =	shalt  }
0x6c: {  	_ =	shalt  }
0x6d: {  	_ =	shalt  }
0x6e: {  	_ =	shalt  }
0x6f: {  	_ =	shalt  }
0x70: {  	_ =	shalt  }
0x71: {  	_ =	shalt  }
0x72: {  	_ =	shalt  }
0x73: {  	_ =	shalt  }
0x74: {  	_ =	shalt  }
0x75: {  	_ =	shalt  }
0x76: {  	_ =	shalt  }
0x77: {  	_ =	shalt  }
0x78: {  	_ =	shalt  }
0x79: {  	_ =	shalt  }
0x7a: {  	_ =	shalt  }
0x7b: {  	_ =	shalt  }
0x7c: {  	_ =	shalt  }
0x7d: {  	_ =	shalt  }
0x7e: {  	_ =	shalt  }
0x7f: {  	_ =	shalt  }
0x80: {  	_ =	shalt  }
0x81: {  	_ =	shalt  }
0x82: {  	_ =	shalt  }
0x83: {  	_ =	shalt  }
0x84: {  	_ =	shalt  }
0x85: {  	_ =	shalt  }
0x86: {  	_ =	shalt  }
0x87: {  	_ =	shalt  }
.Lfunc_end0:
.L_simem_size_0:
called_computation_lowered:
.L_overlay_start_0:
0x88: {  	s2 =	sld [smem:$0x3FD9]  }
0x89: {  	s3 =	sld [smem:$0x3FFE];
	_ =	sdelay $0x1  }
0x8a: {  	s1 =	srdreg.scid  }
0x8b: {  	s0 =	sand.u32 $0x1, s1  }
0x8c: {  	s14 =	sshll.u32 s0, $0xA;
	s2 =	sadd.s32 s3, s2  }
0x8d: {  	s2 =	sadd.s32 s2, s14  }
0x8e: {  	[smem:$0x3FC6] =	sst s2  }
0x8f: {  	_ = 	snop  }
0x90: {  	s2 =	sld [smem:$0x3FD0];
	_ =	sdelay $0x2  }
0x91: {  	s15 =	simm.s32 $0xA;
	s4 =	simm.s32 $0x10  }
0x92: {  	[smem:s4], [sflag:s15] =	dma.local [hbm:s2], $0x1  }
0x93: {  	_ =	swait.eq [sflag:s15], $0x1  }
0x94: {  	[sflag:s15] =	ssyncset.done $0x0  }
0x95: {  	[sflag:s15] =	ssyncadd.s32 $0xFFFFFFFF  }
0x96: {  	s16 =	sld [smem:$0x11];
	(tm) =	ssettm $0x1  }
0x97: {  	s17 =	sld [smem:$0x3FFB];
	_ =	sdelay $0x3  }
0x98: {  	_ =	strace s17  }
0x99: {  	s3 =	sld [smem:$0x3FFC];
	_ =	sdelay $0x3  }
0x9a: {  	_ =	strace s3  }
0x9b: {  	s3 =	sld [smem:$0x3FFD];
	_ =	sdelay $0x3  }
0x9c: {  	_ =	strace s3  }
0x9d: {  	_ =	strace $0x8FFFFFFF  }
0x9e: {  	s18 =	sld [smem:$0x3FDB];
	_ =	sdelay $0x1  }
0x9f: {  	s19 =	simm.s32 $_scs_section_size  }
0xa0: {  	s5 =	simm.s32 $_size__tile_overlayer_lowered;
	s6 =	simm.s32 $_tile_overlayer_lowered  }
0xa1: {  	s22 =	simm.s32 $0x1BFF;
	s21 =	sshll.u32 s6, $0x1;
	s3 =	sadd.s32 s19, s18  }
0xa2: {  	s7 =	simm.s32 $0x0;
	s20 =	sshll.u32 s5, $0x1;
	s5 =	sadd.s32 s21, s3  }
0xa3: {  	[timem:s7], [sflag:s22] =	dma.local [hbm:s5], s20  }
0xa4: {  	_ =	swait.ge [sflag:s22], s20  }
0xa5: {  	s4 =	ssub.s32 $0x0, s20;
	[sflag:s22] =	ssyncset.done $0x0  }
0xa6: {  	[sflag:s22] =	ssyncadd.s32 s4;
	_ =	sdelay $0x1  }
0xa7: {  	s23 =	simm.s32 $0x1B8B  }
0xa8: {  	_ =	swait.ge [sflag:s23], $0x1  }
0xa9: {  	[sflag:s23] =	ssyncset.done $0x0  }
0xaa: {  	s25 =	simm.s32 $0x1B8E;
	s24 =	sld [smem:$0x3FFE];
	[sflag:s23] =	ssyncadd.s32 $0xFFFFFFFF  }
0xab: {  	s26 =	simm.s32 $execute0_lowered;
	[smem:$0x3FD2] =	sst s25  }
0xac: {  	s5 =	sshll.u32 s26, $0x1;
	_ =	strace $0x80000046;
	[dreg:$0x1] =	wrdreg $0xFFFFFFFF  }
0xad: {  	s28 =	simm.s32 $_size_execute0_lowered;
	s3 =	sadd.s32 s3, s5;
	[dreg:$0x0] =	wrdreg $0x0  }
0xae: {  	s5 =	sshll.u32 s28, $0x1;
	[dreg:$0x2] =	wrdreg s3  }
0xaf: {  	[dreg:$0x3] =	wrdreg s5  }
0xb0: {  	[dreg:$0x4] =	wrdreg $0xC0  }
0xb1: {  	_ =	task [dreg:s7], $0x5FFFF  }
0xb2: {  	[dreg:$0x1] =	wrdreg $0xFFFFFFFF  }
0xb3: {  	[dreg:$0x0] =	wrdreg $0x60  }
0xb4: {  	[dreg:$0x2] =	wrdreg s16  }
0xb5: {  	[dreg:$0x3] =	wrdreg s24  }
0xb6: {  	[dreg:$0x4] =	wrdreg $0x9  }
0xb7: {  	_ =	task.clear_ibuf [dreg:s7], $0x5FFFF;
	_ =	strace $0x90000046  }
0xb8: {  	s29 =	simm.s32 $0x9;
	_ =	strace $0x80000048  }
0xb9: {  	_ =	swait.ge [sflag:s29], $0x1  }
0xba: {  	[sflag:s29] =	ssyncadd.s32 $0xFFFFFFFF  }
0xbb: {  	_ =	strace $0x90000048  }
0xbc: {  	_ =	sfence  }
0xbd: {  	s30 =	sld [smem:$0x0];
	_ =	sdelay $0x2  }
0xbe: {  	s31 =	sshll.u32 s1, $0xD;
	s1 =	sshrl.u32 s1, $0x2  }
0xbf: {  	s3 =	sand.u32 $0x4000, s31;
	s1 =	sadd.s32 s1, s30  }
0xc0: {  	s0 =	sor.u32 s3, s0;
	s1 =	sshll.u32 s1, $0x11  }
0xc1: {  	s0 =	sor.u32 s1, s0  }
0xc2: {  	s0 =	sadd.s32 $0x8F2B, s0  }
0xc3: {  	[sflag:s0] =	ssyncadd.remote.s32 $0x1  }
0xc4: {  	_ =	sfence.sel $0xFFFF  }
0xc5: {  	[dreg:$0x0] =	wrdreg $0xFFFFFFFF;
	(pc) =	sbr.abs _section_cstart, $3  }
0xc6: {  	[dreg:$0x1] =	wrdreg $0xFFFFFFFF  }
0xc7: {  	_ =	task.clear_ibuf [dreg:s7], $0x2FFFF;
	_ =	strace $0x9FFFFFFF  }
0xc8: {  	(tm) =	ssettm $0x7FFFFFFF  }
0xc9: {  	_ =	shalt  }
tec
execute0_lowered:
.L_overlay_start_1:
0x0: {  	(tag) =	ssettag $0x1  }
0x1: {  	s1 =	rddreg [dreg:$0x0]  }
0x2: {  	s6 =	rddreg [dreg:$0x1]  }
0x3: {  	s0 =	rddreg [dreg:$0x2];
	s3 =	simm.s32 $0x0;
	s4 =	srdreg.scid  }
0x4: {  	s2 =	stileid.u32;
	s11 =	simm.s32 $0x880;
	s12 =	simm.s32 $0x1080  }
0x5: {  	s13 =	simm.s32 $0x1880;
	s14 =	simm.s32 $0x2080;
	s15 =	simm.s32 $0x2880  }
0x6: {  	s16 =	simm.s32 $0x3080;
	s17 =	simm.s32 $0x3880;
	s18 =	simm.s32 $0x4080  }
0x7: {  	s19 =	simm.s32 $0x4880;
	s20 =	simm.s32 $0x5080;
	s21 =	simm.s32 $0x5880  }
0x8: {  	s22 =	simm.s32 $0x6080;
	s23 =	simm.s32 $0x6880;
	s24 =	simm.s32 $0x7080  }
0x9: {  	s25 =	simm.s32 $0x7880;
	s26 =	simm.s32 $0x1;
	s4 =	sand.u32 $0x1, s4  }
0xa: {  	[smem:$0x7FF] =	sst s3;
	s7 =	sshll.u32 s2, $0x9;
	s5 =	ssub.s32 $0x2, s4  }
0xb: {  	s9 =	sadd.s32 $0x400, s6;
	s4 =	sshll.u32 s4, $0x8;
	s8 =	sshrl.u32 s5, $0x1  }
0xc: {  	_ =	strace $0x80000047;
	s7 =	sor.u32 s4, s7;
	s8 =	ssub.s32 s5, s8  }
0xd: {  	s4 =	sshrl.u32 s7, $0x3;
	s31 =	sshll.u32 s7, $0x5;
	s7 =	sor.u32 $0x80, s7  }
0xe: {  	v2 =	vlaneseq.u32;
	s4 =	sadd.s32 s6, s4;
	s5 =	sadd.s32 s9, s31;
	s10 =	sshrl.u32 s7, $0x3  }
0xf: {  	vm0 =	vmmov $0xffff;
	v1 =	vshrl.u32 v2, $0x3;
	s7 =	sshll.u32 s7, $0x5;
	s8 =	smax.u32 s8, $0x1;
	s6 =	sadd.s32 s6, s10  }
0x10: {  	v0 =	vand.u32 $0x7, v2;
	v2 =	vor.u32 $0x8, v2;
	v1 =	vmul.u32 $0x8, v1;
	s7 =	sadd.s32 s9, s7;
	s9 =	simm.s32 $0x2;
	s10 =	simm.s32 $0x80  }
.LBB2_1:
0x11: {  	[tilespmem:s3], [sflag:$0x2] =	stream.linear.gather [hbm4b:s4+s3], $0x80, $0x38;
	[tilespmem:$0x8080] =	vst v63  }
0x12: {  	_ =	swait.ge [sflag:s9], $0x80  }
0x13: {  	[sflag:s9] =	ssyncset.done $0x0  }
0x14: {  	[sflag:s9] =	ssyncadd.s32 $0xFFFFFF80  }
0x15: {  	v3 =	vld [tilespmem:$0x0];
	_ =	sdelay $0x4  }
0x16: {  	v4 =	vshll.u32 v3, $0x1  }
0x17: {  	v3 =	vand.u32 $0x7, v3;
	v4 =	vand.u32 $0xFFFFFFF0, v4  }
0x18: {  	v3 =	vor.u32 v3, v4  }
0x19: {  	v4 =	vperm.xlane v3, v0;
	_ =	sdelay $0x1  }
0x1a: {  	v3 =	vperm.xlane v3, v2;
	v4 =	vadd.s32 v1, v4;
	_ =	sdelay $0x1  }
0x1b: {  	v3 =	vadd.s32 v1, v3;
	_ =	sdelay $0x2  }
0x1c: {  	[tilespmem:s10], [sflag:$0x1] =	stream.indirect_vreg.gather [hbm4b:s1+s3], $0x80, v4, vm0, $0xb8;
	[tilespmem:$0x8080] =	vst v63  }
0x1d: {  	_ = 	snop  }
0x1e: {  	[tilespmem:s11], [sflag:$0x1] =	stream.indirect_vreg.gather [hbm4b:s1+s3], $0x80, v3, vm0, $0xb8;
	[tilespmem:$0x8080] =	vst v63  }
0x1f: {  	v3 =	vld [tilespmem:$0x10];
	_ =	sdelay $0x4  }
0x20: {  	v49 =	vshll.u32 v3, $0x1  }
0x21: {  	v3 =	vand.u32 $0x7, v3;
	v4 =	vand.u32 $0xFFFFFFF0, v49  }
0x22: {  	v3 =	vor.u32 v3, v4  }
0x23: {  	v4 =	vperm.xlane v3, v0;
	_ =	sdelay $0x1  }
0x24: {  	v3 =	vperm.xlane v3, v2;
	v4 =	vadd.s32 v1, v4;
	_ =	sdelay $0x1  }
0x25: {  	v3 =	vadd.s32 v1, v3;
	_ =	sdelay $0x2  }
0x26: {  	[tilespmem:s12], [sflag:$0x1] =	stream.indirect_vreg.gather [hbm4b:s1+s3], $0x80, v4, vm0, $0xb8;
	[tilespmem:$0x8080] =	vst v63  }
0x27: {  	_ = 	snop  }
0x28: {  	[tilespmem:s13], [sflag:$0x1] =	stream.indirect_vreg.gather [hbm4b:s1+s3], $0x80, v3, vm0, $0xb8;
	[tilespmem:$0x8080] =	vst v63  }
0x29: {  	v3 =	vld [tilespmem:$0x20];
	_ =	sdelay $0x4  }
0x2a: {  	v50 =	vshll.u32 v3, $0x1  }
0x2b: {  	v3 =	vand.u32 $0x7, v3;
	v4 =	vand.u32 $0xFFFFFFF0, v50  }
0x2c: {  	v3 =	vor.u32 v3, v4  }
0x2d: {  	v4 =	vperm.xlane v3, v0;
	_ =	sdelay $0x1  }
0x2e: {  	v3 =	vperm.xlane v3, v2;
	v4 =	vadd.s32 v1, v4;
	_ =	sdelay $0x1  }
0x2f: {  	v3 =	vadd.s32 v1, v3;
	_ =	sdelay $0x2  }
0x30: {  	[tilespmem:s14], [sflag:$0x1] =	stream.indirect_vreg.gather [hbm4b:s1+s3], $0x80, v4, vm0, $0xb8;
	[tilespmem:$0x8080] =	vst v63  }
0x31: {  	_ = 	snop  }
0x32: {  	[tilespmem:s15], [sflag:$0x1] =	stream.indirect_vreg.gather [hbm4b:s1+s3], $0x80, v3, vm0, $0xb8;
	[tilespmem:$0x8080] =	vst v63  }
0x33: {  	v3 =	vld [tilespmem:$0x30];
	_ =	sdelay $0x4  }
0x34: {  	v51 =	vshll.u32 v3, $0x1  }
0x35: {  	v3 =	vand.u32 $0x7, v3;
	v4 =	vand.u32 $0xFFFFFFF0, v51  }
0x36: {  	v3 =	vor.u32 v3, v4  }
0x37: {  	v4 =	vperm.xlane v3, v0;
	_ =	sdelay $0x1  }
0x38: {  	v3 =	vperm.xlane v3, v2;
	v4 =	vadd.s32 v1, v4;
	_ =	sdelay $0x1  }
0x39: {  	v3 =	vadd.s32 v1, v3;
	_ =	sdelay $0x2  }
0x3a: {  	[tilespmem:s16], [sflag:$0x1] =	stream.indirect_vreg.gather [hbm4b:s1+s3], $0x80, v4, vm0, $0xb8;
	[tilespmem:$0x8080] =	vst v63  }
0x3b: {  	_ = 	snop  }
0x3c: {  	[tilespmem:s17], [sflag:$0x1] =	stream.indirect_vreg.gather [hbm4b:s1+s3], $0x80, v3, vm0, $0xb8;
	[tilespmem:$0x8080] =	vst v63  }
0x3d: {  	v3 =	vld [tilespmem:$0x40];
	_ =	sdelay $0x4  }
0x3e: {  	v52 =	vshll.u32 v3, $0x1  }
0x3f: {  	v3 =	vand.u32 $0x7, v3;
	v4 =	vand.u32 $0xFFFFFFF0, v52  }
0x40: {  	v3 =	vor.u32 v3, v4  }
0x41: {  	v4 =	vperm.xlane v3, v0;
	_ =	sdelay $0x1  }
0x42: {  	v3 =	vperm.xlane v3, v2;
	v4 =	vadd.s32 v1, v4;
	_ =	sdelay $0x1  }
0x43: {  	v3 =	vadd.s32 v1, v3;
	_ =	sdelay $0x2  }
0x44: {  	[tilespmem:s18], [sflag:$0x1] =	stream.indirect_vreg.gather [hbm4b:s1+s3], $0x80, v4, vm0, $0xb8;
	[tilespmem:$0x8080] =	vst v63  }
0x45: {  	_ = 	snop  }
0x46: {  	[tilespmem:s19], [sflag:$0x1] =	stream.indirect_vreg.gather [hbm4b:s1+s3], $0x80, v3, vm0, $0xb8;
	[tilespmem:$0x8080] =	vst v63  }
0x47: {  	v3 =	vld [tilespmem:$0x50];
	_ =	sdelay $0x4  }
0x48: {  	v53 =	vshll.u32 v3, $0x1  }
0x49: {  	v3 =	vand.u32 $0x7, v3;
	v4 =	vand.u32 $0xFFFFFFF0, v53  }
0x4a: {  	v3 =	vor.u32 v3, v4  }
0x4b: {  	v4 =	vperm.xlane v3, v0;
	_ =	sdelay $0x1  }
0x4c: {  	v3 =	vperm.xlane v3, v2;
	v4 =	vadd.s32 v1, v4;
	_ =	sdelay $0x1  }
0x4d: {  	v3 =	vadd.s32 v1, v3;
	_ =	sdelay $0x2  }
0x4e: {  	[tilespmem:s20], [sflag:$0x1] =	stream.indirect_vreg.gather [hbm4b:s1+s3], $0x80, v4, vm0, $0xb8;
	[tilespmem:$0x8080] =	vst v63  }
0x4f: {  	_ = 	snop  }
0x50: {  	[tilespmem:s21], [sflag:$0x1] =	stream.indirect_vreg.gather [hbm4b:s1+s3], $0x80, v3, vm0, $0xb8;
	[tilespmem:$0x8080] =	vst v63  }
0x51: {  	v3 =	vld [tilespmem:$0x60];
	_ =	sdelay $0x4  }
0x52: {  	v54 =	vshll.u32 v3, $0x1  }
0x53: {  	v3 =	vand.u32 $0x7, v3;
	v4 =	vand.u32 $0xFFFFFFF0, v54  }
0x54: {  	v3 =	vor.u32 v3, v4  }
0x55: {  	v4 =	vperm.xlane v3, v0;
	_ =	sdelay $0x1  }
0x56: {  	v3 =	vperm.xlane v3, v2;
	v4 =	vadd.s32 v1, v4;
	_ =	sdelay $0x1  }
0x57: {  	v3 =	vadd.s32 v1, v3;
	_ =	sdelay $0x2  }
0x58: {  	[tilespmem:s22], [sflag:$0x1] =	stream.indirect_vreg.gather [hbm4b:s1+s3], $0x80, v4, vm0, $0xb8;
	[tilespmem:$0x8080] =	vst v63  }
0x59: {  	_ = 	snop  }
0x5a: {  	[tilespmem:s23], [sflag:$0x1] =	stream.indirect_vreg.gather [hbm4b:s1+s3], $0x80, v3, vm0, $0xb8;
	[tilespmem:$0x8080] =	vst v63  }
0x5b: {  	v3 =	vld [tilespmem:$0x70];
	_ =	sdelay $0x4  }
0x5c: {  	v55 =	vshll.u32 v3, $0x1  }
0x5d: {  	v3 =	vand.u32 $0x7, v3;
	v4 =	vand.u32 $0xFFFFFFF0, v55  }
0x5e: {  	v3 =	vor.u32 v3, v4  }
0x5f: {  	v4 =	vperm.xlane v3, v0;
	_ =	sdelay $0x1  }
0x60: {  	v3 =	vperm.xlane v3, v2;
	v4 =	vadd.s32 v1, v4;
	_ =	sdelay $0x1  }
0x61: {  	v3 =	vadd.s32 v1, v3;
	_ =	sdelay $0x2  }
0x62: {  	[tilespmem:s24], [sflag:$0x1] =	stream.indirect_vreg.gather [hbm4b:s1+s3], $0x80, v4, vm0, $0xb8;
	[tilespmem:$0x8080] =	vst v63  }
0x63: {  	_ = 	snop  }
0x64: {  	[tilespmem:s25], [sflag:$0x1] =	stream.indirect_vreg.gather [hbm4b:s1+s3], $0x80, v3, vm0, $0xb8;
	[tilespmem:$0x8080] =	vst v63  }
0x65: {  	_ =	swait.ge [sflag:s26], $0x8000  }
0x66: {  	[sflag:s26] =	ssyncset.done $0x0  }
0x67: {  	[sflag:s26] =	ssyncadd.s32 $0xFFFF8000  }
0x68: {  	[hbm4b:s5+s3] =	stream.linear.scatter [tilespmem:s10], [sflag:$0x2], $0x8000, $0x38;
	[tilespmem:$0x8080] =	vst v63  }
0x69: {  	_ =	swait.ge [sflag:s9], $0x8000  }
0x6a: {  	[sflag:s9] =	ssyncset.done $0x0  }
0x6b: {  	[sflag:s9] =	ssyncadd.s32 $0xFFFF8000  }
0x6c: {  	[tilespmem:s3], [sflag:$0x2] =	stream.linear.gather [hbm4b:s6+s3], $0x80, $0x38;
	[tilespmem:$0x8080] =	vst v63  }
0x6d: {  	_ =	swait.ge [sflag:s9], $0x80  }
0x6e: {  	[sflag:s9] =	ssyncset.done $0x0  }
0x6f: {  	[sflag:s9] =	ssyncadd.s32 $0xFFFFFF80  }
0x70: {  	v3 =	vld [tilespmem:$0x0];
	_ =	sdelay $0x4  }
0x71: {  	v56 =	vshll.u32 v3, $0x1  }
0x72: {  	v3 =	vand.u32 $0x7, v3;
	v4 =	vand.u32 $0xFFFFFFF0, v56  }
0x73: {  	v3 =	vor.u32 v3, v4  }
0x74: {  	v4 =	vperm.xlane v3, v0;
	_ =	sdelay $0x1  }
0x75: {  	v3 =	vperm.xlane v3, v2;
	v4 =	vadd.s32 v1, v4;
	_ =	sdelay $0x1  }
0x76: {  	v3 =	vadd.s32 v1, v3;
	_ =	sdelay $0x2  }
0x77: {  	[tilespmem:s10], [sflag:$0x1] =	stream.indirect_vreg.gather [hbm4b:s1+s3], $0x80, v4, vm0, $0xb8;
	[tilespmem:$0x8080] =	vst v63  }
0x78: {  	_ = 	snop  }
0x79: {  	[tilespmem:s11], [sflag:$0x1] =	stream.indirect_vreg.gather [hbm4b:s1+s3], $0x80, v3, vm0, $0xb8;
	[tilespmem:$0x8080] =	vst v63  }
0x7a: {  	v3 =	vld [tilespmem:$0x10];
	_ =	sdelay $0x4  }
0x7b: {  	v57 =	vshll.u32 v3, $0x1  }
0x7c: {  	v3 =	vand.u32 $0x7, v3;
	v4 =	vand.u32 $0xFFFFFFF0, v57  }
0x7d: {  	v3 =	vor.u32 v3, v4  }
0x7e: {  	v4 =	vperm.xlane v3, v0;
	_ =	sdelay $0x1  }
0x7f: {  	v3 =	vperm.xlane v3, v2;
	v4 =	vadd.s32 v1, v4;
	_ =	sdelay $0x1  }
0x80: {  	v3 =	vadd.s32 v1, v3;
	_ =	sdelay $0x2  }
0x81: {  	[tilespmem:s12], [sflag:$0x1] =	stream.indirect_vreg.gather [hbm4b:s1+s3], $0x80, v4, vm0, $0xb8;
	[tilespmem:$0x8080] =	vst v63  }
0x82: {  	_ = 	snop  }
0x83: {  	[tilespmem:s13], [sflag:$0x1] =	stream.indirect_vreg.gather [hbm4b:s1+s3], $0x80, v3, vm0, $0xb8;
	[tilespmem:$0x8080] =	vst v63  }
0x84: {  	v3 =	vld [tilespmem:$0x20];
	_ =	sdelay $0x4  }
0x85: {  	v58 =	vshll.u32 v3, $0x1  }
0x86: {  	v3 =	vand.u32 $0x7, v3;
	v4 =	vand.u32 $0xFFFFFFF0, v58  }
0x87: {  	v3 =	vor.u32 v3, v4  }
0x88: {  	v4 =	vperm.xlane v3, v0;
	_ =	sdelay $0x1  }
0x89: {  	v3 =	vperm.xlane v3, v2;
	v4 =	vadd.s32 v1, v4;
	_ =	sdelay $0x1  }
0x8a: {  	v3 =	vadd.s32 v1, v3;
	_ =	sdelay $0x2  }
0x8b: {  	[tilespmem:s14], [sflag:$0x1] =	stream.indirect_vreg.gather [hbm4b:s1+s3], $0x80, v4, vm0, $0xb8;
	[tilespmem:$0x8080] =	vst v63  }
0x8c: {  	_ = 	snop  }
0x8d: {  	[tilespmem:s15], [sflag:$0x1] =	stream.indirect_vreg.gather [hbm4b:s1+s3], $0x80, v3, vm0, $0xb8;
	[tilespmem:$0x8080] =	vst v63  }
0x8e: {  	v3 =	vld [tilespmem:$0x30];
	_ =	sdelay $0x4  }
0x8f: {  	v59 =	vshll.u32 v3, $0x1  }
0x90: {  	v3 =	vand.u32 $0x7, v3;
	v4 =	vand.u32 $0xFFFFFFF0, v59  }
0x91: {  	v3 =	vor.u32 v3, v4  }
0x92: {  	v4 =	vperm.xlane v3, v0;
	_ =	sdelay $0x1  }
0x93: {  	v3 =	vperm.xlane v3, v2;
	v4 =	vadd.s32 v1, v4;
	_ =	sdelay $0x1  }
0x94: {  	v3 =	vadd.s32 v1, v3;
	_ =	sdelay $0x2  }
0x95: {  	[tilespmem:s16], [sflag:$0x1] =	stream.indirect_vreg.gather [hbm4b:s1+s3], $0x80, v4, vm0, $0xb8;
	[tilespmem:$0x8080] =	vst v63  }
0x96: {  	_ = 	snop  }
0x97: {  	[tilespmem:s17], [sflag:$0x1] =	stream.indirect_vreg.gather [hbm4b:s1+s3], $0x80, v3, vm0, $0xb8;
	[tilespmem:$0x8080] =	vst v63  }
0x98: {  	v3 =	vld [tilespmem:$0x40];
	_ =	sdelay $0x4  }
0x99: {  	v60 =	vshll.u32 v3, $0x1  }
0x9a: {  	v3 =	vand.u32 $0x7, v3;
	v4 =	vand.u32 $0xFFFFFFF0, v60  }
0x9b: {  	v3 =	vor.u32 v3, v4  }
0x9c: {  	v4 =	vperm.xlane v3, v0;
	_ =	sdelay $0x1  }
0x9d: {  	v3 =	vperm.xlane v3, v2;
	v4 =	vadd.s32 v1, v4;
	_ =	sdelay $0x1  }
0x9e: {  	v3 =	vadd.s32 v1, v3;
	_ =	sdelay $0x2  }
0x9f: {  	[tilespmem:s18], [sflag:$0x1] =	stream.indirect_vreg.gather [hbm4b:s1+s3], $0x80, v4, vm0, $0xb8;
	[tilespmem:$0x8080] =	vst v63  }
0xa0: {  	_ = 	snop  }
0xa1: {  	[tilespmem:s19], [sflag:$0x1] =	stream.indirect_vreg.gather [hbm4b:s1+s3], $0x80, v3, vm0, $0xb8;
	[tilespmem:$0x8080] =	vst v63  }
0xa2: {  	v3 =	vld [tilespmem:$0x50];
	_ =	sdelay $0x4  }
0xa3: {  	v61 =	vshll.u32 v3, $0x1  }
0xa4: {  	v3 =	vand.u32 $0x7, v3;
	v4 =	vand.u32 $0xFFFFFFF0, v61  }
0xa5: {  	v3 =	vor.u32 v3, v4  }
0xa6: {  	v4 =	vperm.xlane v3, v0;
	_ =	sdelay $0x1  }
0xa7: {  	v3 =	vperm.xlane v3, v2;
	v4 =	vadd.s32 v1, v4;
	_ =	sdelay $0x1  }
0xa8: {  	v3 =	vadd.s32 v1, v3;
	_ =	sdelay $0x2  }
0xa9: {  	[tilespmem:s20], [sflag:$0x1] =	stream.indirect_vreg.gather [hbm4b:s1+s3], $0x80, v4, vm0, $0xb8;
	[tilespmem:$0x8080] =	vst v63  }
0xaa: {  	_ = 	snop  }
0xab: {  	[tilespmem:s21], [sflag:$0x1] =	stream.indirect_vreg.gather [hbm4b:s1+s3], $0x80, v3, vm0, $0xb8;
	[tilespmem:$0x8080] =	vst v63  }
0xac: {  	v3 =	vld [tilespmem:$0x60];
	_ =	sdelay $0x4  }
0xad: {  	v62 =	vshll.u32 v3, $0x1  }
0xae: {  	v3 =	vand.u32 $0x7, v3;
	v4 =	vand.u32 $0xFFFFFFF0, v62  }
0xaf: {  	v3 =	vor.u32 v3, v4  }
0xb0: {  	v4 =	vperm.xlane v3, v0;
	_ =	sdelay $0x1  }
0xb1: {  	v3 =	vperm.xlane v3, v2;
	v4 =	vadd.s32 v1, v4;
	_ =	sdelay $0x1  }
0xb2: {  	v3 =	vadd.s32 v1, v3;
	_ =	sdelay $0x2  }
0xb3: {  	[tilespmem:s22], [sflag:$0x1] =	stream.indirect_vreg.gather [hbm4b:s1+s3], $0x80, v4, vm0, $0xb8;
	[tilespmem:$0x8080] =	vst v63  }
0xb4: {  	_ = 	snop  }
0xb5: {  	[tilespmem:s23], [sflag:$0x1] =	stream.indirect_vreg.gather [hbm4b:s1+s3], $0x80, v3, vm0, $0xb8;
	[tilespmem:$0x8080] =	vst v63  }
0xb6: {  	v3 =	vld [tilespmem:$0x70];
	_ =	sdelay $0x4  }
0xb7: {  	v63 =	vshll.u32 v3, $0x1  }
0xb8: {  	v3 =	vand.u32 $0x7, v3;
	v4 =	vand.u32 $0xFFFFFFF0, v63  }
0xb9: {  	v3 =	vor.u32 v3, v4  }
0xba: {  	v4 =	vperm.xlane v3, v0;
	_ =	sdelay $0x1  }
0xbb: {  	v3 =	vperm.xlane v3, v2;
	v4 =	vadd.s32 v1, v4;
	_ =	sdelay $0x1  }
0xbc: {  	v3 =	vadd.s32 v1, v3;
	_ =	sdelay $0x2  }
0xbd: {  	[tilespmem:s24], [sflag:$0x1] =	stream.indirect_vreg.gather [hbm4b:s1+s3], $0x80, v4, vm0, $0xb8;
	[tilespmem:$0x8080] =	vst v63  }
0xbe: {  	_ = 	snop  }
0xbf: {  	[tilespmem:s25], [sflag:$0x1] =	stream.indirect_vreg.gather [hbm4b:s1+s3], $0x80, v3, vm0, $0xb8;
	[tilespmem:$0x8080] =	vst v63  }
0xc0: {  	_ =	swait.ge [sflag:s26], $0x8000  }
0xc1: {  	p0 =	sne.s32 s8, $0x1;
	[sflag:s26] =	ssyncset.done $0x0  }
.Ltmp0:
0xc2: {  	[sflag:s26] =	ssyncadd.s32 $0xFFFF8000;
	(pc) =	sbr.rel @p0 .LBB2_1-.Ltmp0, $4  }
0xc3: {  	[hbm4b:s7+s3] =	stream.linear.scatter [tilespmem:s10], [sflag:$0x2], $0x8000, $0x38;
	[tilespmem:$0x8080] =	vst v63  }
0xc4: {  	_ =	swait.ge [sflag:s9], $0x8000  }
0xc5: {  	[sflag:s9] =	ssyncset.done $0x0  }
0xc6: {  	s8 =	sadd.s32 $0xFFFFFFFF, s8;
	[sflag:s9] =	ssyncadd.s32 $0xFFFF8000  }
0xc7: {  	_ =	sfence.sel $0x180000  }
0xc8: {  	[bflag:$0x0] =	sbarrier.arrive $0xFFFF  }
0xc9: {  	p0 =	sne.s32 s2, $0x0;
	_ =	strace $0x90000047  }
0xca: {  	s0 =	sadd.s32 @!p0 $0x100000, s0;
	[bflag:$0x2] =	sbarrier.arrive $0xFFFF  }
0xcb: {  	[sflag:s0] =	ssyncadd.tile.s32 @!p0 $0x1;
	_ =	shalt  }
.Lfunc_end2:
_tile_overlayer_lowered:
.L_overlay_start_2:
0xcc: {  	(tag) =	ssettag $0x2  }
0xcd: {  	s0 =	rddreg [dreg:$0x0];
	s2 =	stileid.u32  }
0xce: {  	s1 =	rddreg [dreg:$0x1];
	p0 =	sne.s32 s2, $0x0  }
0xcf: {  	s3 =	rddreg [dreg:$0x2];
	[bflag:$0x3] =	sbarrier.arrive $0xFFFF;
	s2 =	simm.s32 @!p0 $0x1C02  }
0xd0: {  	[timem:s3], [sflag:s2] =	dma.local @!p0 [hbm:s0], s1  }
0xd1: {  	s0 =	simm.s32 @!p0 $0x2  }
0xd2: {  	_ =	swait.ge @!p0 [sflag:s0], s1  }
0xd3: {  	s1 =	ssub.s32 @!p0 $0x0, s1;
	[sflag:s0] =	ssyncset.done @!p0 $0x0  }
0xd4: {  	[sflag:s0] =	ssyncadd.s32 @!p0 s1  }
0xd5: {  	[bflag:$0x3] =	sbarrier.arrive $0xFFFF  }
0xd6: {  	_ =	shalt  }

</sc_bundles>
